<compile_context>
chip_gen: v7x
topology: tpu7x:2x2x1
jax: 0.10.2.dev20260603
libtpu: 0.0.44.dev20260713+nightly
codegen_flags: <defaults>
</compile_context>

<pallas_src>
import functools

import jax
import jax.numpy as jnp
from jax import lax
from jax.experimental import pallas as pl
from jax.experimental.pallas import tpu as pltpu
from jax.experimental.pallas import tpu_sc as plsc

D_MODEL = 256
T2V_IN = 8
T2V_K = 32

_INV_PI = 0.3183098861837907
_PI = 3.14159265358979
_MAGIC = 12582912.0
_S1 = 0.9999966
_S3 = -0.16664824
_S5 = 0.00830629
_S7 = -0.00018363


def _fast_sin(v):
    t = v * _INV_PI + _MAGIC
    tb = jax.lax.bitcast_convert_type(t, jnp.int32)
    n = (jnp.bitwise_and(tb, 0x7FFFFF) - 0x400000).astype(jnp.float32)
    r = v - n * _PI
    r2 = r * r
    p = (((_S7 * r2 + _S5) * r2 + _S3) * r2 + _S1) * r
    signbit = jnp.left_shift(tb, 31)
    pb = jax.lax.bitcast_convert_type(p, jnp.int32)
    return jax.lax.bitcast_convert_type(jnp.bitwise_xor(pb, signbit),
                                        jnp.float32)


def _fused_body(y_ref, x_ref, wm_ref, bflat_ref, table_ref, wtv_ref, btv_ref,
                linmask_ref, linmaskc_ref, iota_ref, out_ref, *, blk, seq_len):
    yb = y_ref[...]

    pid = pl.program_id(0)
    blocks_per_seq = seq_len // blk
    l_start = (pid % blocks_per_seq) * blk
    lp = (jax.lax.broadcasted_iota(jnp.int32, (blk, 1), 0).astype(jnp.float32)
          + jnp.float32(l_start)) * jnp.float32(1.0 / seq_len)

    xx = jnp.concatenate([x_ref[...], lp], axis=1)
    val = (jnp.dot(xx, wm_ref[...], preferred_element_type=jnp.float32)
           + bflat_ref[...])
    t2v = _fast_sin(val) * linmaskc_ref[...] + val * linmask_ref[...]

    one = jnp.bfloat16(1.0)
    zero = jnp.bfloat16(0.0)
    src_f = jnp.floor(yb[:, 4:5]).astype(jnp.bfloat16)
    idv_f = jnp.floor(yb[:, 5:6]).astype(jnp.bfloat16) + jnp.bfloat16(128.0)
    evt_f = jnp.floor(yb[:, 6:7]).astype(jnp.bfloat16)
    iota = iota_ref[...]
    oh = (jnp.where(iota == src_f, one, zero)
          + jnp.where(iota == evt_f, one, zero)
          + jnp.where(iota == idv_f, one, zero))
    gathered = jnp.dot(oh, table_ref[...], preferred_element_type=jnp.float32)

    a0 = (wtv_ref[0:1, :] + wtv_ref[2:3, :]
          + wtv_ref[4:5, :] + wtv_ref[6:7, :])
    bsum = (btv_ref[0:1, :] + btv_ref[1:2, :]
            + btv_ref[2:3, :] + btv_ref[3:4, :])
    wtv5 = jnp.concatenate(
        [wtv_ref[1:2, :], wtv_ref[3:4, :], wtv_ref[5:6, :], wtv_ref[7:8, :],
         a0], axis=0)
    tv = (jnp.dot(yb[:, 0:5], wtv5, preferred_element_type=jnp.float32)
          + bsum)

    out_ref[...] = t2v + gathered + tv


_SC_WORKERS = 32
_SC_TILE = 256


def _sc_zeros(n, d):
    rows = n // _SC_WORKERS

    @functools.partial(
        pl.kernel,
        mesh=plsc.VectorSubcoreMesh(core_axis_name="c", subcore_axis_name="s"),
        out_type=jax.ShapeDtypeStruct((n, d), jnp.float32),
        scratch_types=[pltpu.VMEM((_SC_TILE, d), jnp.float32)],
    )
    def zk(zsrc_hbm, out_hbm, zbuf):
        wid = lax.axis_index("s") * 2 + lax.axis_index("c")
        base = wid * rows
        pltpu.sync_copy(zsrc_hbm, zbuf)
        for j in range(rows // _SC_TILE):
            pltpu.sync_copy(zbuf, out_hbm.at[pl.ds(base + j * _SC_TILE,
                                                   _SC_TILE)])

    return zk(jnp.zeros((_SC_TILE, d), jnp.float32))


@jax.jit
def kernel(y, x, t2v_w, t2v_b, te_table, id_table,
           w0, b0, w1, b1, w2, b2, w3, b3):
    bs, L, _ = y.shape
    n = bs * L
    blk = 4096
    grid = n // blk

    yf = y.reshape(n, 7)
    xf = x.reshape(n, 7)

    wm = (jnp.eye(T2V_IN, dtype=jnp.float32)[:, :, None]
          * t2v_w[None, :, :]).reshape(T2V_IN, D_MODEL)
    bflat = t2v_b.reshape(1, D_MODEL)
    table = jnp.zeros((2 * 128, D_MODEL), jnp.float32)
    table = table.at[:te_table.shape[0], :].set(te_table)
    table = table.at[128:128 + id_table.shape[0], :].set(id_table)
    table = table.astype(jnp.bfloat16)
    wtv = jnp.concatenate([w0, w1, w2, w3], axis=0)
    btv = jnp.stack([b0, b1, b2, b3], axis=0)
    linmask = (jnp.arange(D_MODEL, dtype=jnp.int32) % T2V_K == 0
               ).astype(jnp.float32).reshape(1, D_MODEL)
    linmaskc = 1.0 - linmask
    iota = jnp.arange(2 * 128, dtype=jnp.float32
                      ).astype(jnp.bfloat16).reshape(1, 2 * 128)

    body = functools.partial(_fused_body, blk=blk, seq_len=L)
    emb = pl.pallas_call(
        body,
        grid=(grid,),
        in_specs=[
            pl.BlockSpec((blk, 7), lambda g: (g, 0)),
            pl.BlockSpec((blk, 7), lambda g: (g, 0)),
            pl.BlockSpec((T2V_IN, D_MODEL), lambda g: (0, 0)),
            pl.BlockSpec((1, D_MODEL), lambda g: (0, 0)),
            pl.BlockSpec((2 * 128, D_MODEL), lambda g: (0, 0)),
            pl.BlockSpec((8, D_MODEL), lambda g: (0, 0)),
            pl.BlockSpec((4, D_MODEL), lambda g: (0, 0)),
            pl.BlockSpec((1, D_MODEL), lambda g: (0, 0)),
            pl.BlockSpec((1, D_MODEL), lambda g: (0, 0)),
            pl.BlockSpec((1, 2 * 128), lambda g: (0, 0)),
        ],
        out_specs=pl.BlockSpec((blk, D_MODEL), lambda g: (g, 0)),
        out_shape=jax.ShapeDtypeStruct((n, D_MODEL), jnp.float32),
    )(yf, xf, wm, bflat, table, wtv, btv, linmask, linmaskc, iota)

    zeros = _sc_zeros(n, D_MODEL)
    emb = emb.reshape(bs, L, D_MODEL)
    return (emb, zeros.reshape(bs, L, D_MODEL))

# --- scband reference (transcript-rebuilt; emitter-appended) ---
"""Pipeline reference for scband-spacetimeformer-embedding-71004399338035 (READ-ONLY COPY).

The authoritative reference and input builder live on the scoring server;
editing this copy changes nothing except your own understanding.
"""

import jax, jax.numpy as jnp
import numpy as np

D_MODEL = 256
D_X = 7
T2V_IN = D_X + 1  # x is concatenated with local_pos before Time2Vec
T2V_K = D_MODEL // T2V_IN  # 32


def _time2vec(x, w, b):
    # torch.diag_embed(x) @ W + b  ==  x[..., :, None] * W + b
    aff = x[..., :, None] * w + b  # [bs, L, T2V_IN, T2V_K]
    out = jnp.concatenate([aff[..., :1], jnp.sin(aff[..., 1:])], axis=-1)
    return out.reshape(out.shape[0], out.shape[1], -1)  # [bs, L, D_MODEL]


def setup_inputs(seed: int = 0):
    key = jax.random.key(seed)
    ks = jax.random.split(key, 14)
    bs, L = 4, 8192
    y = jax.random.uniform(ks[0], (bs, L, 7), dtype=jnp.float32)
    x = jax.random.normal(ks[1], (bs, L, D_X), dtype=jnp.float32)
    t2v_w = jax.random.normal(ks[2], (T2V_IN, T2V_K), dtype=jnp.float32)
    t2v_b = jax.random.normal(ks[3], (T2V_IN, T2V_K), dtype=jnp.float32)
    te_table = jax.random.normal(ks[4], (54, D_MODEL), dtype=jnp.float32) * 0.02
    id_table = jax.random.normal(ks[5], (75, D_MODEL), dtype=jnp.float32) * 0.02
    w0 = jax.random.normal(ks[6], (2, D_MODEL), dtype=jnp.float32) * 0.1
    w1 = jax.random.normal(ks[7], (2, D_MODEL), dtype=jnp.float32) * 0.1
    w2 = jax.random.normal(ks[8], (2, D_MODEL), dtype=jnp.float32) * 0.1
    w3 = jax.random.normal(ks[9], (2, D_MODEL), dtype=jnp.float32) * 0.1
    b0 = jnp.zeros((D_MODEL,), jnp.float32)
    b1 = jnp.zeros((D_MODEL,), jnp.float32)
    b2 = jnp.zeros((D_MODEL,), jnp.float32)
    b3 = jnp.zeros((D_MODEL,), jnp.float32)
    return {"y": y, "x": x, "t2v_w": t2v_w, "t2v_b": t2v_b, "te_table": te_table,
            "id_table": id_table, "w0": w0, "b0": b0, "w1": w1, "b1": b1,
            "w2": w2, "b2": b2, "w3": w3, "b3": b3}


def reference(y, x, t2v_w, t2v_b, te_table, id_table, w0, b0, w1, b1, w2, b2, w3, b3):
    bs, L, d_y = y.shape
    local_pos = (jnp.arange(L, dtype=jnp.float32) / L).reshape(1, L, 1)
    local_pos = jnp.broadcast_to(local_pos, (bs, L, 1))
    xx = jnp.concatenate([x, local_pos], axis=-1)  # [bs, L, 8]
    t2v_emb = _time2vec(xx, t2v_w, t2v_b)  # [bs, L, 256]

    val0, val1, val2, val3, src, idv, evt = jnp.split(y, 7, axis=-1)

    idx = jax.lax.stop_gradient(idv).astype(jnp.int32)  # [bs, L, 1]
    id_emb = jnp.sum(jnp.take(id_table, idx, axis=0), axis=-2)  # [bs, L, 256]

    type_evnt = jax.lax.stop_gradient(jnp.concatenate([src, evt], axis=-1)).astype(jnp.int32)  # [bs, L, 2]
    type_evnt_emb = jnp.sum(jnp.take(te_table, type_evnt, axis=0), axis=-2)  # [bs, L, 256]

    tv0 = jnp.concatenate([src, val0], axis=-1) @ w0 + b0
    tv1 = jnp.concatenate([src, val1], axis=-1) @ w1 + b1
    tv2 = jnp.concatenate([src, val2], axis=-1) @ w2 + b2
    tv3 = jnp.concatenate([src, val3], axis=-1) @ w3 + b3

    embedding = t2v_emb + type_evnt_emb + id_emb + tv0 + tv1 + tv2 + tv3
    return (embedding, jnp.zeros_like(embedding))

if __name__ == "__main__":
    import jax
    _d = setup_inputs()
    print(jax.jit(kernel)(*tuple(_d.values())))

</pallas_src>

<mosaic_0001>
#map = affine_map<(d0, d1) -> (0, 0)>
module attributes {stable_mosaic.version = 14 : i64} {
  func.func @zk(%arg0: i32, %arg1: i32, %arg2: memref<256x256xf32, #tpu.memory_space<hbm>>, %arg3: memref<32768x256xf32, #tpu.memory_space<hbm>>, %arg4: memref<256x256xf32, #tpu.memory_space<vmem>>) attributes {dimension_semantics = [#tpu.dimension_semantics<core_parallel>, #tpu.dimension_semantics<subcore_parallel>], iteration_bounds = array<i64: 2, 16>, scalar_prefetch = 0 : i64, scratch_operands = 1 : i64, tpu.core_type = #tpu.core_type<sc_vector_subcore>, window_params = [{transform_indices = #map}, {transform_indices = #map}]} {
    %mul3A = arith.constant 2 : i32
    %mul3A_0 = arith.muli %arg1, %mul3A : i32
    %add3A = arith.addi %mul3A_0, %arg0 : i32
    %mul3A_1 = arith.constant 1024 : i32
    %mul3A_2 = arith.muli %add3A, %mul3A_1 : i32
    "tpu.region"() ({
      %run_scoped3A = tpu.sem_alloc : memref<!tpu.dma_semaphore, #tpu.memory_space<semaphore_mem>>
      tpu.enqueue_dma source(%arg2 : memref<256x256xf32, #tpu.memory_space<hbm>>) target(%arg4 : memref<256x256xf32, #tpu.memory_space<vmem>>) target_semaphore(%run_scoped3A : memref<!tpu.dma_semaphore, #tpu.memory_space<semaphore_mem>>)
      tpu.wait_dma2 semaphore(%run_scoped3A : memref<!tpu.dma_semaphore, #tpu.memory_space<semaphore_mem>>) src(%arg2 : memref<256x256xf32, #tpu.memory_space<hbm>>) dst(%arg4 : memref<256x256xf32, #tpu.memory_space<vmem>>)
      tpu.yield
    }) : () -> ()
    %add3A_3 = arith.constant 0 : i32
    %add3A_4 = arith.addi %mul3A_2, %add3A_3 : i32
    "tpu.region"() ({
      %run_scoped3A = tpu.sem_alloc : memref<!tpu.dma_semaphore, #tpu.memory_space<semaphore_mem>>
      %dma_start3A = arith.constant 0 : i32
      %dma_start3A_11 = tpu.memref_slice %arg3[%add3A_4, %dma_start3A] : memref<32768x256xf32, #tpu.memory_space<hbm>> -> memref<256x256xf32, #tpu.memory_space<hbm>>
      %dma_start3A_12 = arith.constant 0 : i32
      %dma_start3A_13 = tpu.memref_slice %arg3[%add3A_4, %dma_start3A_12] : memref<32768x256xf32, #tpu.memory_space<hbm>> -> memref<256x256xf32, #tpu.memory_space<hbm>>
      tpu.enqueue_dma source(%arg4 : memref<256x256xf32, #tpu.memory_space<vmem>>) target(%dma_start3A_13 : memref<256x256xf32, #tpu.memory_space<hbm>>) target_semaphore(%run_scoped3A : memref<!tpu.dma_semaphore, #tpu.memory_space<semaphore_mem>>)
      %dma_wait3A = arith.constant 0 : i32
      %dma_wait3A_14 = tpu.memref_slice %arg3[%add3A_4, %dma_wait3A] : memref<32768x256xf32, #tpu.memory_space<hbm>> -> memref<256x256xf32, #tpu.memory_space<hbm>>
      %dma_wait3A_15 = arith.constant 0 : i32
      %dma_wait3A_16 = tpu.memref_slice %arg3[%add3A_4, %dma_wait3A_15] : memref<32768x256xf32, #tpu.memory_space<hbm>> -> memref<256x256xf32, #tpu.memory_space<hbm>>
      tpu.wait_dma2 semaphore(%run_scoped3A : memref<!tpu.dma_semaphore, #tpu.memory_space<semaphore_mem>>) src(%arg4 : memref<256x256xf32, #tpu.memory_space<vmem>>) dst(%dma_wait3A_16 : memref<256x256xf32, #tpu.memory_space<hbm>>)
      tpu.yield
    }) : () -> ()
    %add3A_5 = arith.constant 256 : i32
    %add3A_6 = arith.addi %mul3A_2, %add3A_5 : i32
    "tpu.region"() ({
      %run_scoped3A = tpu.sem_alloc : memref<!tpu.dma_semaphore, #tpu.memory_space<semaphore_mem>>
      %dma_start3A = arith.constant 0 : i32
      %dma_start3A_11 = tpu.memref_slice %arg3[%add3A_6, %dma_start3A] : memref<32768x256xf32, #tpu.memory_space<hbm>> -> memref<256x256xf32, #tpu.memory_space<hbm>>
      %dma_start3A_12 = arith.constant 0 : i32
      %dma_start3A_13 = tpu.memref_slice %arg3[%add3A_6, %dma_start3A_12] : memref<32768x256xf32, #tpu.memory_space<hbm>> -> memref<256x256xf32, #tpu.memory_space<hbm>>
      tpu.enqueue_dma source(%arg4 : memref<256x256xf32, #tpu.memory_space<vmem>>) target(%dma_start3A_13 : memref<256x256xf32, #tpu.memory_space<hbm>>) target_semaphore(%run_scoped3A : memref<!tpu.dma_semaphore, #tpu.memory_space<semaphore_mem>>)
      %dma_wait3A = arith.constant 0 : i32
      %dma_wait3A_14 = tpu.memref_slice %arg3[%add3A_6, %dma_wait3A] : memref<32768x256xf32, #tpu.memory_space<hbm>> -> memref<256x256xf32, #tpu.memory_space<hbm>>
      %dma_wait3A_15 = arith.constant 0 : i32
      %dma_wait3A_16 = tpu.memref_slice %arg3[%add3A_6, %dma_wait3A_15] : memref<32768x256xf32, #tpu.memory_space<hbm>> -> memref<256x256xf32, #tpu.memory_space<hbm>>
      tpu.wait_dma2 semaphore(%run_scoped3A : memref<!tpu.dma_semaphore, #tpu.memory_space<semaphore_mem>>) src(%arg4 : memref<256x256xf32, #tpu.memory_space<vmem>>) dst(%dma_wait3A_16 : memref<256x256xf32, #tpu.memory_space<hbm>>)
      tpu.yield
    }) : () -> ()
    %add3A_7 = arith.constant 512 : i32
    %add3A_8 = arith.addi %mul3A_2, %add3A_7 : i32
    "tpu.region"() ({
      %run_scoped3A = tpu.sem_alloc : memref<!tpu.dma_semaphore, #tpu.memory_space<semaphore_mem>>
      %dma_start3A = arith.constant 0 : i32
      %dma_start3A_11 = tpu.memref_slice %arg3[%add3A_8, %dma_start3A] : memref<32768x256xf32, #tpu.memory_space<hbm>> -> memref<256x256xf32, #tpu.memory_space<hbm>>
      %dma_start3A_12 = arith.constant 0 : i32
      %dma_start3A_13 = tpu.memref_slice %arg3[%add3A_8, %dma_start3A_12] : memref<32768x256xf32, #tpu.memory_space<hbm>> -> memref<256x256xf32, #tpu.memory_space<hbm>>
      tpu.enqueue_dma source(%arg4 : memref<256x256xf32, #tpu.memory_space<vmem>>) target(%dma_start3A_13 : memref<256x256xf32, #tpu.memory_space<hbm>>) target_semaphore(%run_scoped3A : memref<!tpu.dma_semaphore, #tpu.memory_space<semaphore_mem>>)
      %dma_wait3A = arith.constant 0 : i32
      %dma_wait3A_14 = tpu.memref_slice %arg3[%add3A_8, %dma_wait3A] : memref<32768x256xf32, #tpu.memory_space<hbm>> -> memref<256x256xf32, #tpu.memory_space<hbm>>
      %dma_wait3A_15 = arith.constant 0 : i32
      %dma_wait3A_16 = tpu.memref_slice %arg3[%add3A_8, %dma_wait3A_15] : memref<32768x256xf32, #tpu.memory_space<hbm>> -> memref<256x256xf32, #tpu.memory_space<hbm>>
      tpu.wait_dma2 semaphore(%run_scoped3A : memref<!tpu.dma_semaphore, #tpu.memory_space<semaphore_mem>>) src(%arg4 : memref<256x256xf32, #tpu.memory_space<vmem>>) dst(%dma_wait3A_16 : memref<256x256xf32, #tpu.memory_space<hbm>>)
      tpu.yield
    }) : () -> ()
    %add3A_9 = arith.constant 768 : i32
    %add3A_10 = arith.addi %mul3A_2, %add3A_9 : i32
    "tpu.region"() ({
      %run_scoped3A = tpu.sem_alloc : memref<!tpu.dma_semaphore, #tpu.memory_space<semaphore_mem>>
      %dma_start3A = arith.constant 0 : i32
      %dma_start3A_11 = tpu.memref_slice %arg3[%add3A_10, %dma_start3A] : memref<32768x256xf32, #tpu.memory_space<hbm>> -> memref<256x256xf32, #tpu.memory_space<hbm>>
      %dma_start3A_12 = arith.constant 0 : i32
      %dma_start3A_13 = tpu.memref_slice %arg3[%add3A_10, %dma_start3A_12] : memref<32768x256xf32, #tpu.memory_space<hbm>> -> memref<256x256xf32, #tpu.memory_space<hbm>>
      tpu.enqueue_dma source(%arg4 : memref<256x256xf32, #tpu.memory_space<vmem>>) target(%dma_start3A_13 : memref<256x256xf32, #tpu.memory_space<hbm>>) target_semaphore(%run_scoped3A : memref<!tpu.dma_semaphore, #tpu.memory_space<semaphore_mem>>)
      %dma_wait3A = arith.constant 0 : i32
      %dma_wait3A_14 = tpu.memref_slice %arg3[%add3A_10, %dma_wait3A] : memref<32768x256xf32, #tpu.memory_space<hbm>> -> memref<256x256xf32, #tpu.memory_space<hbm>>
      %dma_wait3A_15 = arith.constant 0 : i32
      %dma_wait3A_16 = tpu.memref_slice %arg3[%add3A_10, %dma_wait3A_15] : memref<32768x256xf32, #tpu.memory_space<hbm>> -> memref<256x256xf32, #tpu.memory_space<hbm>>
      tpu.wait_dma2 semaphore(%run_scoped3A : memref<!tpu.dma_semaphore, #tpu.memory_space<semaphore_mem>>) src(%arg4 : memref<256x256xf32, #tpu.memory_space<vmem>>) dst(%dma_wait3A_16 : memref<256x256xf32, #tpu.memory_space<hbm>>)
      tpu.yield
    }) : () -> ()
    return
  }
}

module attributes {stable_mosaic.version = 14 : i64} {
  func.func @_fused_body(%arg0: i32, %arg1: memref<4096x7xf32, #tpu.memory_space<vmem>>, %arg2: memref<4096x7xf32, #tpu.memory_space<vmem>>, %arg3: memref<8x256xf32, #tpu.memory_space<vmem>>, %arg4: memref<1x256xf32, #tpu.memory_space<vmem>>, %arg5: memref<256x256xbf16, #tpu.memory_space<vmem>>, %arg6: memref<8x256xf32, #tpu.memory_space<vmem>>, %arg7: memref<4x256xf32, #tpu.memory_space<vmem>>, %arg8: memref<1x256xf32, #tpu.memory_space<vmem>>, %arg9: memref<1x256xf32, #tpu.memory_space<vmem>>, %arg10: memref<1x256xbf16, #tpu.memory_space<vmem>>, %arg11: memref<4096x256xf32, #tpu.memory_space<vmem>>) attributes {dimension_semantics = [#tpu.dimension_semantics<arbitrary>], iteration_bounds = array<i64: 8>, scalar_prefetch = 0 : i64, scratch_operands = 0 : i64, tpu.core_type = #tpu.core_type<tc>, window_params = [{transform_indices = @transform_0, window_bounds = array<i64: 4096, 7>}, {transform_indices = @transform_1, window_bounds = array<i64: 4096, 7>}, {pipeline_mode = #tpu.pipeline_mode<synchronous>, transform_indices = @transform_2, window_bounds = array<i64: 8, 256>}, {pipeline_mode = #tpu.pipeline_mode<synchronous>, transform_indices = @transform_3, window_bounds = array<i64: 1, 256>}, {pipeline_mode = #tpu.pipeline_mode<synchronous>, transform_indices = @transform_4, window_bounds = array<i64: 256, 256>}, {pipeline_mode = #tpu.pipeline_mode<synchronous>, transform_indices = @transform_5, window_bounds = array<i64: 8, 256>}, {pipeline_mode = #tpu.pipeline_mode<synchronous>, transform_indices = @transform_6, window_bounds = array<i64: 4, 256>}, {pipeline_mode = #tpu.pipeline_mode<synchronous>, transform_indices = @transform_7, window_bounds = array<i64: 1, 256>}, {pipeline_mode = #tpu.pipeline_mode<synchronous>, transform_indices = @transform_8, window_bounds = array<i64: 1, 256>}, {pipeline_mode = #tpu.pipeline_mode<synchronous>, transform_indices = @transform_9, window_bounds = array<i64: 1, 256>}, {transform_indices = @transform_10, window_bounds = array<i64: 4096, 256>}]} {
    %get3A = arith.constant 0 : index
    %get3A_0 = arith.constant 0 : index
    %get3A_1 = vector.load %arg1[%get3A, %get3A_0] : memref<4096x7xf32, #tpu.memory_space<vmem>>, vector<4096x7xf32>
    %jit3A = arith.constant 2 : i32
    %eq3A = arith.constant 0 : i32
    %eq3A_2 = arith.cmpi eq, %jit3A, %eq3A : i32
    %jit3A_3 = arith.constant 1 : i32
    %select_n3A = arith.select %eq3A_2, %jit3A_3, %jit3A : i32
    %rem3A = arith.remsi %arg0, %select_n3A : i32
    %ne3A = arith.constant 0 : i32
    %ne3A_4 = arith.cmpi ne, %rem3A, %ne3A : i32
    %lt3A = arith.constant 0 : i32
    %lt3A_5 = arith.cmpi slt, %rem3A, %lt3A : i32
    %lt3A_6 = arith.constant 0 : i32
    %lt3A_7 = arith.cmpi slt, %select_n3A, %lt3A_6 : i32
    %ne3A_8 = arith.xori %lt3A_5, %lt3A_7 : i1
    %and3A = arith.andi %ne3A_8, %ne3A_4 : i1
    %add3A = arith.addi %rem3A, %select_n3A : i32
    %select_n3A_9 = arith.select %and3A, %add3A, %rem3A : i32
    %mul3A = arith.constant 4096 : i32
    %mul3A_10 = arith.muli %select_n3A_9, %mul3A : i32
    %iota3A = tpu.iota {dimensions = array<i32: 0>} : vector<4096x1xi32>
    %convert_element_type3A = arith.sitofp %iota3A : vector<4096x1xi32> to vector<4096x1xf32>
    %convert_element_type3A_11 = arith.sitofp %mul3A_10 : i32 to f32
    %add3A_12 = vector.broadcast %convert_element_type3A_11 : f32 to vector<4096x1xf32>
    %add3A_13 = arith.addf %convert_element_type3A, %add3A_12 : vector<4096x1xf32>
    %mul3A_14 = arith.constant 1.22070313E-4 : f32
    %mul3A_15 = vector.broadcast %mul3A_14 : f32 to vector<4096x1xf32>
    %mul3A_16 = arith.mulf %add3A_13, %mul3A_15 : vector<4096x1xf32>
    %get3A_17 = arith.constant 0 : index
    %get3A_18 = arith.constant 0 : index
    %get3A_19 = vector.load %arg2[%get3A_17, %get3A_18] : memref<4096x7xf32, #tpu.memory_space<vmem>>, vector<4096x7xf32>
    %concatenate3A = tpu.concatenate %get3A_19, %mul3A_16 in 1 : vector<4096x7xf32>, vector<4096x1xf32> -> vector<4096x8xf32>
    %get3A_20 = arith.constant 0 : index
    %get3A_21 = arith.constant 0 : index
    %get3A_22 = vector.load %arg3[%get3A_20, %get3A_21] : memref<8x256xf32, #tpu.memory_space<vmem>>, vector<8x256xf32>
    %dot_general3A = arith.constant dense<0.000000e+00> : vector<4096x256xf32>
    %dot_general3A_23 = tpu.matmul %concatenate3A, %get3A_22, %dot_general3A {dimension_numbers = #tpu.dot_dimension_numbers<[1], [0], [0], [1], [0, 0, 1, 1], [], []>, transpose_lhs_hint = false} : vector<4096x8xf32>, vector<8x256xf32>, vector<4096x256xf32> -> vector<4096x256xf32>
    %get3A_24 = arith.constant 0 : index
    %get3A_25 = arith.constant 0 : index
    %get3A_26 = vector.load %arg4[%get3A_24, %get3A_25] : memref<1x256xf32, #tpu.memory_space<vmem>>, vector<1x256xf32>
    %add3A_27 = vector.broadcast %get3A_26 : vector<1x256xf32> to vector<4096x256xf32>
    %add3A_28 = arith.addf %dot_general3A_23, %add3A_27 : vector<4096x256xf32>
    %mul3A_29 = arith.constant 0.318309873 : f32
    %mul3A_30 = vector.broadcast %mul3A_29 : f32 to vector<4096x256xf32>
    %mul3A_31 = arith.mulf %add3A_28, %mul3A_30 : vector<4096x256xf32>
    %add3A_32 = arith.constant 0x4B400000 : f32
    %add3A_33 = vector.broadcast %add3A_32 : f32 to vector<4096x256xf32>
    %add3A_34 = arith.addf %mul3A_31, %add3A_33 : vector<4096x256xf32>
    %bitcast_convert_type3A = tpu.bitcast %add3A_34 : vector<4096x256xf32> -> vector<4096x256xi32>
    %and3A_35 = arith.constant 8388607 : i32
    %and3A_36 = vector.broadcast %and3A_35 : i32 to vector<4096x256xi32>
    %and3A_37 = arith.andi %bitcast_convert_type3A, %and3A_36 : vector<4096x256xi32>
    %sub3A = arith.constant 4194304 : i32
    %sub3A_38 = vector.broadcast %sub3A : i32 to vector<4096x256xi32>
    %sub3A_39 = arith.subi %and3A_37, %sub3A_38 : vector<4096x256xi32>
    %convert_element_type3A_40 = arith.sitofp %sub3A_39 : vector<4096x256xi32> to vector<4096x256xf32>
    %mul3A_41 = arith.constant 3.14159274 : f32
    %mul3A_42 = vector.broadcast %mul3A_41 : f32 to vector<4096x256xf32>
    %mul3A_43 = arith.mulf %convert_element_type3A_40, %mul3A_42 : vector<4096x256xf32>
    %sub3A_44 = arith.subf %add3A_28, %mul3A_43 : vector<4096x256xf32>
    %mul3A_45 = arith.mulf %sub3A_44, %sub3A_44 : vector<4096x256xf32>
    %mul3A_46 = arith.constant -1.836300e-04 : f32
    %mul3A_47 = vector.broadcast %mul3A_46 : f32 to vector<4096x256xf32>
    %mul3A_48 = arith.mulf %mul3A_47, %mul3A_45 : vector<4096x256xf32>
    %add3A_49 = arith.constant 8.306290e-03 : f32
    %add3A_50 = vector.broadcast %add3A_49 : f32 to vector<4096x256xf32>
    %add3A_51 = arith.addf %mul3A_48, %add3A_50 : vector<4096x256xf32>
    %mul3A_52 = arith.mulf %add3A_51, %mul3A_45 : vector<4096x256xf32>
    %add3A_53 = arith.constant -0.166648239 : f32
    %add3A_54 = vector.broadcast %add3A_53 : f32 to vector<4096x256xf32>
    %add3A_55 = arith.addf %mul3A_52, %add3A_54 : vector<4096x256xf32>
    %mul3A_56 = arith.mulf %add3A_55, %mul3A_45 : vector<4096x256xf32>
    %add3A_57 = arith.constant 0.999996602 : f32
    %add3A_58 = vector.broadcast %add3A_57 : f32 to vector<4096x256xf32>
    %add3A_59 = arith.addf %mul3A_56, %add3A_58 : vector<4096x256xf32>
    %mul3A_60 = arith.mulf %add3A_59, %sub3A_44 : vector<4096x256xf32>
    %shift_left3A = arith.constant 31 : i32
    %shift_left3A_61 = vector.broadcast %shift_left3A : i32 to vector<4096x256xi32>
    %shift_left3A_62 = arith.shli %bitcast_convert_type3A, %shift_left3A_61 : vector<4096x256xi32>
    %bitcast_convert_type3A_63 = tpu.bitcast %mul3A_60 : vector<4096x256xf32> -> vector<4096x256xi32>
    %xor3A = arith.xori %bitcast_convert_type3A_63, %shift_left3A_62 : vector<4096x256xi32>
    %bitcast_convert_type3A_64 = tpu.bitcast %xor3A : vector<4096x256xi32> -> vector<4096x256xf32>
    %get3A_65 = arith.constant 0 : index
    %get3A_66 = arith.constant 0 : index
    %get3A_67 = vector.load %arg9[%get3A_65, %get3A_66] : memref<1x256xf32, #tpu.memory_space<vmem>>, vector<1x256xf32>
    %mul3A_68 = vector.broadcast %get3A_67 : vector<1x256xf32> to vector<4096x256xf32>
    %mul3A_69 = arith.mulf %bitcast_convert_type3A_64, %mul3A_68 : vector<4096x256xf32>
    %get3A_70 = arith.constant 0 : index
    %get3A_71 = arith.constant 0 : index
    %get3A_72 = vector.load %arg8[%get3A_70, %get3A_71] : memref<1x256xf32, #tpu.memory_space<vmem>>, vector<1x256xf32>
    %mul3A_73 = vector.broadcast %get3A_72 : vector<1x256xf32> to vector<4096x256xf32>
    %mul3A_74 = arith.mulf %add3A_28, %mul3A_73 : vector<4096x256xf32>
    %add3A_75 = arith.addf %mul3A_69, %mul3A_74 : vector<4096x256xf32>
    %slice3A = vector.extract_strided_slice %get3A_1 {offsets = [0, 4], sizes = [4096, 1], strides = [1, 1]} : vector<4096x7xf32> to vector<4096x1xf32>
    %floor3A = math.floor %slice3A : vector<4096x1xf32>
    %convert_element_type3A_76 = arith.truncf %floor3A : vector<4096x1xf32> to vector<4096x1xbf16>
    %slice3A_77 = vector.extract_strided_slice %get3A_1 {offsets = [0, 5], sizes = [4096, 1], strides = [1, 1]} : vector<4096x7xf32> to vector<4096x1xf32>
    %floor3A_78 = math.floor %slice3A_77 : vector<4096x1xf32>
    %convert_element_type3A_79 = arith.truncf %floor3A_78 : vector<4096x1xf32> to vector<4096x1xbf16>
    %add3A_80 = arith.constant 1.280000e+02 : bf16
    %add3A_81 = vector.broadcast %add3A_80 : bf16 to vector<4096x1xbf16>
    %add3A_82 = arith.addf %convert_element_type3A_79, %add3A_81 : vector<4096x1xbf16>
    %slice3A_83 = vector.extract_strided_slice %get3A_1 {offsets = [0, 6], sizes = [4096, 1], strides = [1, 1]} : vector<4096x7xf32> to vector<4096x1xf32>
    %floor3A_84 = math.floor %slice3A_83 : vector<4096x1xf32>
    %convert_element_type3A_85 = arith.truncf %floor3A_84 : vector<4096x1xf32> to vector<4096x1xbf16>
    %get3A_86 = arith.constant 0 : index
    %get3A_87 = arith.constant 0 : index
    %get3A_88 = vector.load %arg10[%get3A_86, %get3A_87] : memref<1x256xbf16, #tpu.memory_space<vmem>>, vector<1x256xbf16>
    %eq3A_89 = vector.broadcast %get3A_88 : vector<1x256xbf16> to vector<4096x256xbf16>
    %eq3A_90 = vector.broadcast %convert_element_type3A_76 : vector<4096x1xbf16> to vector<4096x256xbf16>
    %eq3A_91 = arith.cmpf oeq, %eq3A_89, %eq3A_90 : vector<4096x256xbf16>
    %jit3A_92 = arith.constant 1.000000e+00 : bf16
    %jit3A_93 = arith.constant 0.000000e+00 : bf16
    %broadcast_in_dim3A = vector.broadcast %jit3A_92 : bf16 to vector<4096x256xbf16>
    %broadcast_in_dim3A_94 = vector.broadcast %jit3A_93 : bf16 to vector<4096x256xbf16>
    %select_n3A_95 = arith.select %eq3A_91, %broadcast_in_dim3A, %broadcast_in_dim3A_94 : vector<4096x256xi1>, vector<4096x256xbf16>
    %eq3A_96 = vector.broadcast %get3A_88 : vector<1x256xbf16> to vector<4096x256xbf16>
    %eq3A_97 = vector.broadcast %convert_element_type3A_85 : vector<4096x1xbf16> to vector<4096x256xbf16>
    %eq3A_98 = arith.cmpf oeq, %eq3A_96, %eq3A_97 : vector<4096x256xbf16>
    %jit3A_99 = arith.constant 1.000000e+00 : bf16
    %jit3A_100 = arith.constant 0.000000e+00 : bf16
    %broadcast_in_dim3A_101 = vector.broadcast %jit3A_99 : bf16 to vector<4096x256xbf16>
    %broadcast_in_dim3A_102 = vector.broadcast %jit3A_100 : bf16 to vector<4096x256xbf16>
    %select_n3A_103 = arith.select %eq3A_98, %broadcast_in_dim3A_101, %broadcast_in_dim3A_102 : vector<4096x256xi1>, vector<4096x256xbf16>
    %add3A_104 = arith.addf %select_n3A_95, %select_n3A_103 : vector<4096x256xbf16>
    %eq3A_105 = vector.broadcast %get3A_88 : vector<1x256xbf16> to vector<4096x256xbf16>
    %eq3A_106 = vector.broadcast %add3A_82 : vector<4096x1xbf16> to vector<4096x256xbf16>
    %eq3A_107 = arith.cmpf oeq, %eq3A_105, %eq3A_106 : vector<4096x256xbf16>
    %jit3A_108 = arith.constant 1.000000e+00 : bf16
    %jit3A_109 = arith.constant 0.000000e+00 : bf16
    %broadcast_in_dim3A_110 = vector.broadcast %jit3A_108 : bf16 to vector<4096x256xbf16>
    %broadcast_in_dim3A_111 = vector.broadcast %jit3A_109 : bf16 to vector<4096x256xbf16>
    %select_n3A_112 = arith.select %eq3A_107, %broadcast_in_dim3A_110, %broadcast_in_dim3A_111 : vector<4096x256xi1>, vector<4096x256xbf16>
    %add3A_113 = arith.addf %add3A_104, %select_n3A_112 : vector<4096x256xbf16>
    %get3A_114 = arith.constant 0 : index
    %get3A_115 = arith.constant 0 : index
    %get3A_116 = vector.load %arg5[%get3A_114, %get3A_115] : memref<256x256xbf16, #tpu.memory_space<vmem>>, vector<256x256xbf16>
    %dot_general3A_117 = arith.constant dense<0.000000e+00> : vector<4096x256xf32>
    %dot_general3A_118 = tpu.matmul %add3A_113, %get3A_116, %dot_general3A_117 {dimension_numbers = #tpu.dot_dimension_numbers<[1], [0], [0], [1], [0, 0, 1, 1], [], []>, transpose_lhs_hint = false} : vector<4096x256xbf16>, vector<256x256xbf16>, vector<4096x256xf32> -> vector<4096x256xf32>
    %get3A_119 = arith.constant 0 : index
    %get3A_120 = arith.constant 0 : index
    %get3A_121 = vector.load %arg6[%get3A_119, %get3A_120] : memref<8x256xf32, #tpu.memory_space<vmem>>, vector<1x256xf32>
    %get3A_122 = arith.constant 2 : index
    %get3A_123 = arith.constant 0 : index
    %get3A_124 = vector.load %arg6[%get3A_122, %get3A_123] : memref<8x256xf32, #tpu.memory_space<vmem>>, vector<1x256xf32>
    %add3A_125 = arith.addf %get3A_121, %get3A_124 : vector<1x256xf32>
    %get3A_126 = arith.constant 4 : index
    %get3A_127 = arith.constant 0 : index
    %get3A_128 = vector.load %arg6[%get3A_126, %get3A_127] : memref<8x256xf32, #tpu.memory_space<vmem>>, vector<1x256xf32>
    %add3A_129 = arith.addf %add3A_125, %get3A_128 : vector<1x256xf32>
    %get3A_130 = arith.constant 6 : index
    %get3A_131 = arith.constant 0 : index
    %get3A_132 = vector.load %arg6[%get3A_130, %get3A_131] : memref<8x256xf32, #tpu.memory_space<vmem>>, vector<1x256xf32>
    %add3A_133 = arith.addf %add3A_129, %get3A_132 : vector<1x256xf32>
    %get3A_134 = arith.constant 0 : index
    %get3A_135 = arith.constant 0 : index
    %get3A_136 = vector.load %arg7[%get3A_134, %get3A_135] : memref<4x256xf32, #tpu.memory_space<vmem>>, vector<1x256xf32>
    %get3A_137 = arith.constant 1 : index
    %get3A_138 = arith.constant 0 : index
    %get3A_139 = vector.load %arg7[%get3A_137, %get3A_138] : memref<4x256xf32, #tpu.memory_space<vmem>>, vector<1x256xf32>
    %add3A_140 = arith.addf %get3A_136, %get3A_139 : vector<1x256xf32>
    %get3A_141 = arith.constant 2 : index
    %get3A_142 = arith.constant 0 : index
    %get3A_143 = vector.load %arg7[%get3A_141, %get3A_142] : memref<4x256xf32, #tpu.memory_space<vmem>>, vector<1x256xf32>
    %add3A_144 = arith.addf %add3A_140, %get3A_143 : vector<1x256xf32>
    %get3A_145 = arith.constant 3 : index
    %get3A_146 = arith.constant 0 : index
    %get3A_147 = vector.load %arg7[%get3A_145, %get3A_146] : memref<4x256xf32, #tpu.memory_space<vmem>>, vector<1x256xf32>
    %add3A_148 = arith.addf %add3A_144, %get3A_147 : vector<1x256xf32>
    %get3A_149 = arith.constant 1 : index
    %get3A_150 = arith.constant 0 : index
    %get3A_151 = vector.load %arg6[%get3A_149, %get3A_150] : memref<8x256xf32, #tpu.memory_space<vmem>>, vector<1x256xf32>
    %get3A_152 = arith.constant 3 : index
    %get3A_153 = arith.constant 0 : index
    %get3A_154 = vector.load %arg6[%get3A_152, %get3A_153] : memref<8x256xf32, #tpu.memory_space<vmem>>, vector<1x256xf32>
    %get3A_155 = arith.constant 5 : index
    %get3A_156 = arith.constant 0 : index
    %get3A_157 = vector.load %arg6[%get3A_155, %get3A_156] : memref<8x256xf32, #tpu.memory_space<vmem>>, vector<1x256xf32>
    %get3A_158 = arith.constant 7 : index
    %get3A_159 = arith.constant 0 : index
    %get3A_160 = vector.load %arg6[%get3A_158, %get3A_159] : memref<8x256xf32, #tpu.memory_space<vmem>>, vector<1x256xf32>
    %concatenate3A_161 = tpu.concatenate %get3A_151, %get3A_154, %get3A_157, %get3A_160, %add3A_133 in 0 : vector<1x256xf32>, vector<1x256xf32>, vector<1x256xf32>, vector<1x256xf32>, vector<1x256xf32> -> vector<5x256xf32>
    %slice3A_162 = vector.extract_strided_slice %get3A_1 {offsets = [0, 0], sizes = [4096, 5], strides = [1, 1]} : vector<4096x7xf32> to vector<4096x5xf32>
    %dot_general3A_163 = arith.constant dense<0.000000e+00> : vector<4096x256xf32>
    %dot_general3A_164 = tpu.matmul %slice3A_162, %concatenate3A_161, %dot_general3A_163 {dimension_numbers = #tpu.dot_dimension_numbers<[1], [0], [0], [1], [0, 0, 1, 1], [], []>, transpose_lhs_hint = false} : vector<4096x5xf32>, vector<5x256xf32>, vector<4096x256xf32> -> vector<4096x256xf32>
    %add3A_165 = vector.broadcast %add3A_148 : vector<1x256xf32> to vector<4096x256xf32>
    %add3A_166 = arith.addf %dot_general3A_164, %add3A_165 : vector<4096x256xf32>
    %add3A_167 = arith.addf %add3A_75, %dot_general3A_118 : vector<4096x256xf32>
    %add3A_168 = arith.addf %add3A_167, %add3A_166 : vector<4096x256xf32>
    %swap3A = arith.constant 0 : index
    %swap3A_169 = arith.constant 0 : index
    %swap3A_170 = vector.load %arg11[%swap3A, %swap3A_169] : memref<4096x256xf32, #tpu.memory_space<vmem>>, vector<4096x256xf32>
    tpu.vector_store %arg11[%swap3A, %swap3A_169], %add3A_168 {strides = array<i32>} : memref<4096x256xf32, #tpu.memory_space<vmem>>, vector<4096x256xf32>,
    return
  }
  func.func @transform_0(%arg0: i32) -> (i32, i32) {
    %c0_i32 = arith.constant 0 : i32
    %c0_i32_0 = arith.constant 0 : i32
    return %arg0, %c0_i32 : i32, i32
  }
  func.func @transform_1(%arg0: i32) -> (i32, i32) {
    %c0_i32 = arith.constant 0 : i32
    %c0_i32_0 = arith.constant 0 : i32
    return %arg0, %c0_i32 : i32, i32
  }
  func.func @transform_2(%arg0: i32) -> (i32, i32) {
    %c0_i32 = arith.constant 0 : i32
    %c0_i32_0 = arith.constant 0 : i32
    %c0_i32_1 = arith.constant 0 : i32
    return %c0_i32, %c0_i32_0 : i32, i32
  }
  func.func @transform_3(%arg0: i32) -> (i32, i32) {
    %c0_i32 = arith.constant 0 : i32
    %c0_i32_0 = arith.constant 0 : i32
    %c0_i32_1 = arith.constant 0 : i32
    return %c0_i32, %c0_i32_0 : i32, i32
  }
  func.func @transform_4(%arg0: i32) -> (i32, i32) {
    %c0_i32 = arith.constant 0 : i32
    %c0_i32_0 = arith.constant 0 : i32
    %c0_i32_1 = arith.constant 0 : i32
    return %c0_i32, %c0_i32_0 : i32, i32
  }
  func.func @transform_5(%arg0: i32) -> (i32, i32) {
    %c0_i32 = arith.constant 0 : i32
    %c0_i32_0 = arith.constant 0 : i32
    %c0_i32_1 = arith.constant 0 : i32
    return %c0_i32, %c0_i32_0 : i32, i32
  }
  func.func @transform_6(%arg0: i32) -> (i32, i32) {
    %c0_i32 = arith.constant 0 : i32
    %c0_i32_0 = arith.constant 0 : i32
    %c0_i32_1 = arith.constant 0 : i32
    return %c0_i32, %c0_i32_0 : i32, i32
  }
  func.func @transform_7(%arg0: i32) -> (i32, i32) {
    %c0_i32 = arith.constant 0 : i32
    %c0_i32_0 = arith.constant 0 : i32
    %c0_i32_1 = arith.constant 0 : i32
    return %c0_i32, %c0_i32_0 : i32, i32
  }
  func.func @transform_8(%arg0: i32) -> (i32, i32) {
    %c0_i32 = arith.constant 0 : i32
    %c0_i32_0 = arith.constant 0 : i32
    %c0_i32_1 = arith.constant 0 : i32
    return %c0_i32, %c0_i32_0 : i32, i32
  }
  func.func @transform_9(%arg0: i32) -> (i32, i32) {
    %c0_i32 = arith.constant 0 : i32
    %c0_i32_0 = arith.constant 0 : i32
    %c0_i32_1 = arith.constant 0 : i32
    return %c0_i32, %c0_i32_0 : i32, i32
  }
  func.func @transform_10(%arg0: i32) -> (i32, i32) {
    %c0_i32 = arith.constant 0 : i32
    %c0_i32_0 = arith.constant 0 : i32
    return %arg0, %c0_i32 : i32, i32
  }
}

</mosaic_0001>

<sc_bundles>
// kernel: kernel.4.cloned.1.call-start
scs
__scs_entry_jumppad:
0x0: {  	(pc) =	sbr.rel $0x88, $3  }
0x1: {  	(tag) =	ssettag $0x0;
	lr =	simm.s32 $0x1  }
0x2: {  	[smem:$0x3F93] =	sst lr;
	_ =	strace $0xD0000000  }
0x3: {  	_ = 	snop  }
0x4: {  	_ = 	snop  }
0x5: {  	_ = 	snop  }
0x6: {  	_ = 	snop  }
0x7: {  	_ = 	snop  }
__scs_overlays_trampoline_lowered:
0x8: {  	[smem:$0x3FA2] =	sst s0  }
0x9: {  	[smem:$0x3FA3] =	sst s1  }
0xa: {  	[smem:$0x3FA4] =	sst s2  }
0xb: {  	[smem:$0x3FA5] =	sst s3  }
0xc: {  	[smem:$0x3FA6] =	sst s4  }
0xd: {  	[smem:$0x3FA7] =	sst s5  }
0xe: {  	[smem:$0x3FA8] =	sst s6  }
0xf: {  	[smem:$0x3FA9] =	sst s7  }
0x10: {  	[smem:$0x3FAA] =	sst s8  }
0x11: {  	[smem:$0x3FAB] =	sst s9;
	s0 =	simm.s32 @!p0 $0x0  }
0x12: {  	s1 =	sld [smem:$0x3F91];
	s0 =	simm.s32 @p0 $0x1  }
0x13: {  	[smem:$0x3FAC] =	sst s0;
	s0 =	simm.s32 @!p1 $0x0  }
0x14: {  	s2 =	sld [smem:$0x3F90];
	s0 =	simm.s32 @p1 $0x1  }
0x15: {  	[smem:$0x3FAD] =	sst s0;
	s0 =	simm.s32 @!p2 $0x0  }
0x16: {  	s3 =	sld [smem:$0x3FDB];
	s0 =	simm.s32 @p2 $0x1  }
0x17: {  	s4 =	simm.s32 $0x1BF5;
	[smem:$0x3FAF] =	sst s0  }
0x18: {  	s0 =	sld [smem:$0x3F92];
	_ =	swait.ge [sflag:s4], $0x0  }
0x19: {  	s7 =	sld [smem:$0x3F93]  }
0x1a: {  	s8 =	sadd.s32 $0xFFFFE003, lr  }
0x1b: {  	s9 =	sadd.s32 $0xFFFFFEF7, lr;
	s5 =	simm.s32 $0xFFFFFFFF;
	p2 =	slt.u32 s8, $0xFFFFF086  }
0x1c: {  	p1 =	slt.u32 s9, $0xF7A;
	s5 =	simm.s32 @!p2 $0x0  }
0x1d: {  	s5 =	simm.s32 @p1 $0x1;
	p0 =	seq.s32 s7, s2  }
0x1e: {  	s7 =	smul.u32 @!p0 $0xF7A, s2;
	p2 =	seq.s32 @!p0 s5, $0x0  }
0x1f: {  	s9 =	smul.u32 $0xF7A, s1;
	s8 =	simm.s32 @!p0 $0x1BF5;
	p2 =	por !p2, p0  }
0x20: {  	[sflag:s8] =	ssyncset.s32 @!p0 $0xFFFFF086;
	s6 =	sadd.s32 @!p0 s3, s7;
	s7 =	simm.s32 @!p0 $0x108  }
0x21: {  	s3 =	sadd.s32 s3, s9;
	s6 =	sadd.s32 @!p0 $0x88, s6;
	s7 =	simm.s32 @p2 $0x1082  }
0x22: {  	[simem:s7], [sflag:s8] =	dma.local @!p0 [hbm:s6], $0xF7A  }
0x23: {  	s9 =	sor.u32 $0xD0000000, s2;
	s6 =	simm.s32 $0x108;
	_ =	swait.ge @!p0 [sflag:s8], $0x0  }
0x24: {  	s3 =	sadd.s32 $0x88, s3;
	s6 =	simm.s32 @!p1 $0x1082;
	[sflag:s4] =	ssyncset.s32 $0xFFFFF086  }
0x25: {  	[simem:s6], [sflag:s4] =	dma.local [hbm:s3], $0xF7A  }
0x26: {  	[smem:$0x3F93] =	sst s1;
	(tag) =	ssettag s2;
	_ =	strace s9  }
0x27: {  	s1 =	sld [smem:$0x3FA3]  }
0x28: {  	s2 =	sld [smem:$0x3FA4]  }
0x29: {  	s4 =	sld [smem:$0x3FA6]  }
0x2a: {  	p0 =	seq.s32 s5, $0x0;
	s5 =	sld [smem:$0x3FA7]  }
0x2b: {  	s6 =	sld [smem:$0x3FA8]  }
0x2c: {  	s7 =	sld [smem:$0x3FA9]  }
0x2d: {  	s3 =	simm.s32 $0x108;
	s8 =	sld [smem:$0x3FAA]  }
0x2e: {  	s3 =	simm.s32 @!p0 $0x1082;
	s9 =	sld [smem:$0x3FAB]  }
0x2f: {  	lr =	sadd.s32 s0, s3;
	s0 =	sld [smem:$0x3FA2]  }
0x30: {  	s3 =	sld [smem:$0x3FA5]  }
0x31: {  	[smem:$0x3FAE] =	sst s10  }
0x32: {  	s10 =	sld [smem:$0x3FAC];
	_ =	sdelay $0x3  }
0x33: {  	p0 =	seq.s32 s10, $0x1;
	s10 =	sld [smem:$0x3FAE];
	_ =	sdelay $0x3  }
0x34: {  	[smem:$0x3FAE] =	sst s10  }
0x35: {  	s10 =	sld [smem:$0x3FAD];
	_ =	sdelay $0x3  }
0x36: {  	p1 =	seq.s32 s10, $0x1;
	s10 =	sld [smem:$0x3FAE];
	_ =	sdelay $0x3  }
0x37: {  	[smem:$0x3FAE] =	sst s10  }
0x38: {  	s10 =	sld [smem:$0x3FAF]  }
0x39: {  	_ = 	snop;
	(pc) =	sbr.ind lr, $3  }
0x3a: {  	_ = 	snop  }
0x3b: {  	_ = 	snop  }
0x3c: {  	p2 =	seq.s32 s10, $0x1;
	s10 =	sld [smem:$0x3FAE]  }
0x3d: {  	_ =	shalt  }
0x3e: {  	_ =	shalt  }
0x3f: {  	_ =	shalt  }
0x40: {  	_ =	shalt  }
0x41: {  	_ =	shalt  }
0x42: {  	_ =	shalt  }
0x43: {  	_ =	shalt  }
0x44: {  	_ =	shalt  }
0x45: {  	_ =	shalt  }
0x46: {  	_ =	shalt  }
0x47: {  	_ =	shalt  }
0x48: {  	_ =	shalt  }
0x49: {  	_ =	shalt  }
0x4a: {  	_ =	shalt  }
0x4b: {  	_ =	shalt  }
0x4c: {  	_ =	shalt  }
0x4d: {  	_ =	shalt  }
0x4e: {  	_ =	shalt  }
0x4f: {  	_ =	shalt  }
0x50: {  	_ =	shalt  }
0x51: {  	_ =	shalt  }
0x52: {  	_ =	shalt  }
0x53: {  	_ =	shalt  }
0x54: {  	_ =	shalt  }
0x55: {  	_ =	shalt  }
0x56: {  	_ =	shalt  }
0x57: {  	_ =	shalt  }
0x58: {  	_ =	shalt  }
0x59: {  	_ =	shalt  }
0x5a: {  	_ =	shalt  }
0x5b: {  	_ =	shalt  }
0x5c: {  	_ =	shalt  }
0x5d: {  	_ =	shalt  }
0x5e: {  	_ =	shalt  }
0x5f: {  	_ =	shalt  }
0x60: {  	_ =	shalt  }
0x61: {  	_ =	shalt  }
0x62: {  	_ =	shalt  }
0x63: {  	_ =	shalt  }
0x64: {  	_ =	shalt  }
0x65: {  	_ =	shalt  }
0x66: {  	_ =	shalt  }
0x67: {  	_ =	shalt  }
0x68: {  	_ =	shalt  }
0x69: {  	_ =	shalt  }
0x6a: {  	_ =	shalt  }
0x6b: {  	_ =	shalt  }
0x6c: {  	_ =	shalt  }
0x6d: {  	_ =	shalt  }
0x6e: {  	_ =	shalt  }
0x6f: {  	_ =	shalt  }
0x70: {  	_ =	shalt  }
0x71: {  	_ =	shalt  }
0x72: {  	_ =	shalt  }
0x73: {  	_ =	shalt  }
0x74: {  	_ =	shalt  }
0x75: {  	_ =	shalt  }
0x76: {  	_ =	shalt  }
0x77: {  	_ =	shalt  }
0x78: {  	_ =	shalt  }
0x79: {  	_ =	shalt  }
0x7a: {  	_ =	shalt  }
0x7b: {  	_ =	shalt  }
0x7c: {  	_ =	shalt  }
0x7d: {  	_ =	shalt  }
0x7e: {  	_ =	shalt  }
0x7f: {  	_ =	shalt  }
0x80: {  	_ =	shalt  }
0x81: {  	_ =	shalt  }
0x82: {  	_ =	shalt  }
0x83: {  	_ =	shalt  }
0x84: {  	_ =	shalt  }
0x85: {  	_ =	shalt  }
0x86: {  	_ =	shalt  }
0x87: {  	_ =	shalt  }
.Lfunc_end0:
.L_simem_size_0:
called_computation_lowered:
.L_overlay_start_0:
0x88: {  	s2 =	sld [smem:$0x3FD9]  }
0x89: {  	s3 =	sld [smem:$0x3FFE];
	_ =	sdelay $0x1  }
0x8a: {  	s1 =	srdreg.scid  }
0x8b: {  	s0 =	sand.u32 $0x1, s1  }
0x8c: {  	s14 =	sshll.u32 s0, $0xA;
	s2 =	sadd.s32 s3, s2  }
0x8d: {  	s2 =	sadd.s32 s2, s14  }
0x8e: {  	[smem:$0x3FBA] =	sst s2  }
0x8f: {  	_ = 	snop  }
0x90: {  	s2 =	sld [smem:$0x3FD0];
	_ =	sdelay $0x2  }
0x91: {  	s15 =	simm.s32 $0xA;
	s4 =	simm.s32 $0x10  }
0x92: {  	[smem:s4], [sflag:s15] =	dma.local [hbm:s2], $0x1  }
0x93: {  	_ =	swait.eq [sflag:s15], $0x1  }
0x94: {  	[sflag:s15] =	ssyncset.done $0x0  }
0x95: {  	[sflag:s15] =	ssyncadd.s32 $0xFFFFFFFF  }
0x96: {  	s16 =	sld [smem:$0x11];
	(tm) =	ssettm $0x1  }
0x97: {  	s17 =	sld [smem:$0x3FFB];
	_ =	sdelay $0x3  }
0x98: {  	_ =	strace s17  }
0x99: {  	s3 =	sld [smem:$0x3FFC];
	_ =	sdelay $0x3  }
0x9a: {  	_ =	strace s3  }
0x9b: {  	s3 =	sld [smem:$0x3FFD];
	_ =	sdelay $0x3  }
0x9c: {  	_ =	strace s3  }
0x9d: {  	_ =	strace $0x8FFFFFFF  }
0x9e: {  	s18 =	sld [smem:$0x3FDB];
	_ =	sdelay $0x1  }
0x9f: {  	s19 =	simm.s32 $_scs_section_size  }
0xa0: {  	s5 =	simm.s32 $_size__tile_overlayer_lowered;
	s6 =	simm.s32 $_tile_overlayer_lowered  }
0xa1: {  	s22 =	simm.s32 $0x1BFF;
	s21 =	sshll.u32 s6, $0x1;
	s3 =	sadd.s32 s19, s18  }
0xa2: {  	s7 =	simm.s32 $0x0;
	s20 =	sshll.u32 s5, $0x1;
	s5 =	sadd.s32 s21, s3  }
0xa3: {  	[timem:s7], [sflag:s22] =	dma.local [hbm:s5], s20  }
0xa4: {  	_ =	swait.ge [sflag:s22], s20  }
0xa5: {  	s4 =	ssub.s32 $0x0, s20;
	[sflag:s22] =	ssyncset.done $0x0  }
0xa6: {  	[sflag:s22] =	ssyncadd.s32 s4;
	_ =	sdelay $0x1  }
0xa7: {  	s23 =	simm.s32 $0x1B8B  }
0xa8: {  	_ =	swait.ge [sflag:s23], $0x1  }
0xa9: {  	[sflag:s23] =	ssyncset.done $0x0  }
0xaa: {  	s25 =	simm.s32 $0x1B8E;
	s24 =	sld [smem:$0x3FFE];
	[sflag:s23] =	ssyncadd.s32 $0xFFFFFFFF  }
0xab: {  	s26 =	simm.s32 $execute0_lowered;
	[smem:$0x3FD2] =	sst s25  }
0xac: {  	s5 =	sshll.u32 s26, $0x1;
	_ =	strace $0x80000046;
	[dreg:$0x1] =	wrdreg $0xFFFFFFFF  }
0xad: {  	s28 =	simm.s32 $_size_execute0_lowered;
	s3 =	sadd.s32 s3, s5;
	[dreg:$0x0] =	wrdreg $0x0  }
0xae: {  	s5 =	sshll.u32 s28, $0x1;
	[dreg:$0x2] =	wrdreg s3  }
0xaf: {  	[dreg:$0x3] =	wrdreg s5  }
0xb0: {  	[dreg:$0x4] =	wrdreg $0xC0  }
0xb1: {  	_ =	task [dreg:s7], $0x5FFFF  }
0xb2: {  	[dreg:$0x1] =	wrdreg $0xFFFFFFFF  }
0xb3: {  	[dreg:$0x0] =	wrdreg $0x60  }
0xb4: {  	[dreg:$0x2] =	wrdreg s24  }
0xb5: {  	[dreg:$0x3] =	wrdreg s16  }
0xb6: {  	[dreg:$0x4] =	wrdreg $0x9  }
0xb7: {  	_ =	task.clear_ibuf [dreg:s7], $0x5FFFF;
	_ =	strace $0x90000046  }
0xb8: {  	s29 =	simm.s32 $0x9;
	_ =	strace $0x80000048  }
0xb9: {  	_ =	swait.ge [sflag:s29], $0x1  }
0xba: {  	[sflag:s29] =	ssyncadd.s32 $0xFFFFFFFF  }
0xbb: {  	_ =	strace $0x90000048  }
0xbc: {  	_ =	sfence  }
0xbd: {  	s30 =	sld [smem:$0x0];
	_ =	sdelay $0x2  }
0xbe: {  	s31 =	sshll.u32 s1, $0xD;
	s1 =	sshrl.u32 s1, $0x2  }
0xbf: {  	s3 =	sand.u32 $0x4000, s31;
	s1 =	sadd.s32 s1, s30  }
0xc0: {  	s0 =	sor.u32 s3, s0;
	s1 =	sshll.u32 s1, $0x11  }
0xc1: {  	s0 =	sor.u32 s1, s0  }
0xc2: {  	s0 =	sadd.s32 $0x8F2B, s0  }
0xc3: {  	[sflag:s0] =	ssyncadd.remote.s32 $0x1  }
0xc4: {  	_ =	sfence.sel $0xFFFF  }
0xc5: {  	[dreg:$0x0] =	wrdreg $0xFFFFFFFF;
	(pc) =	sbr.abs _section_cstart, $3  }
0xc6: {  	[dreg:$0x1] =	wrdreg $0xFFFFFFFF  }
0xc7: {  	_ =	task.clear_ibuf [dreg:s7], $0x2FFFF;
	_ =	strace $0x9FFFFFFF  }
0xc8: {  	(tm) =	ssettm $0x7FFFFFFF  }
0xc9: {  	_ =	shalt  }
tec
execute0_lowered:
.L_overlay_start_1:
0x0: {  	(tag) =	ssettag $0x1  }
0x1: {  	s1 =	rddreg [dreg:$0x0]  }
0x2: {  	s5 =	rddreg [dreg:$0x1]  }
0x3: {  	s0 =	rddreg [dreg:$0x2];
	s2 =	simm.s32 $0x0;
	s4 =	srdreg.scid  }
0x4: {  	[smem:$0x7FF] =	sst s2;
	s3 =	sadd.s32 $0x2400, s1;
	s1 =	stileid.u32  }
0x5: {  	s7 =	sand.u32 $0x1, s4;
	s4 =	simm.s32 $0x1;
	_ =	strace $0x80000047  }
0x6: {  	[tilespmem:s2], [sflag:$0x1] =	stream.linear.gather [hbm4b:s3+s2], $0x10000, $0x38;
	[tilespmem:$0x10000] =	vst v63  }
0x7: {  	s6 =	sshll.u32 s1, $0x10;
	s8 =	sshll.u32 s7, $0xF;
	_ =	swait.ge [sflag:s4], $0x10000  }
0x8: {  	s6 =	sor.u32 s8, s6;
	[sflag:s4] =	ssyncset.done $0x0  }
0x9: {  	s5 =	sadd.s32 s5, s6;
	[sflag:s4] =	ssyncadd.s32 $0xFFFF0000  }
0xa: {  	[hbm4b:s5+s2] =	stream.linear.scatter [tilespmem:s2], [sflag:$0x1], $0x10000, $0x38;
	[tilespmem:$0x10000] =	vst v63  }
0xb: {  	_ =	swait.ge [sflag:s4], $0x10000  }
0xc: {  	[sflag:s4] =	ssyncset.done $0x0  }
0xd: {  	s31 =	ssub.s32 $0x2, s7;
	s6 =	sadd.s32 $0x2000, s5;
	[sflag:s4] =	ssyncadd.s32 $0xFFFF0000  }
0xe: {  	[hbm4b:s6+s2] =	stream.linear.scatter [tilespmem:s2], [sflag:$0x1], $0x10000, $0x38;
	[tilespmem:$0x10000] =	vst v63  }
0xf: {  	s9 =	sshrl.u32 s31, $0x1;
	_ =	swait.ge [sflag:s4], $0x10000  }
0x10: {  	s9 =	ssub.s32 s31, s9;
	[sflag:s4] =	ssyncset.done $0x0  }
0x11: {  	s7 =	sadd.s32 $0x4000, s5;
	s9 =	smax.u32 s9, $0x1;
	[sflag:s4] =	ssyncadd.s32 $0xFFFF0000  }
0x12: {  	[hbm4b:s7+s2] =	stream.linear.scatter [tilespmem:s2], [sflag:$0x1], $0x10000, $0x38;
	[tilespmem:$0x10000] =	vst v63  }
0x13: {  	p0 =	sne.s32 s9, $0x1;
	_ =	swait.ge [sflag:s4], $0x10000  }
.Ltmp0:
0x14: {  	[sflag:s4] =	ssyncset.done $0x0;
	(pc) =	sbr.rel @!p0 .LBB2_2-.Ltmp0, $4  }
0x15: {  	s8 =	sadd.s32 $0x6000, s5;
	[sflag:s4] =	ssyncadd.s32 $0xFFFF0000  }
0x16: {  	[hbm4b:s8+s2] =	stream.linear.scatter [tilespmem:s2], [sflag:$0x1], $0x10000, $0x38;
	[tilespmem:$0x10000] =	vst v63  }
0x17: {  	_ =	swait.ge [sflag:s4], $0x10000  }
0x18: {  	s9 =	sadd.s32 $0xFFFFFFFF, s9;
	[sflag:s4] =	ssyncset.done $0x0  }
.LBB2_1:
0x19: {  	p0 =	sne.s32 s9, $0x1;
	s9 =	sadd.s32 $0xFFFFFFFF, s9;
	[sflag:s4] =	ssyncadd.s32 $0xFFFF0000  }
0x1a: {  	[tilespmem:s2], [sflag:$0x1] =	stream.linear.gather [hbm4b:s3+s2], $0x10000, $0x38;
	[tilespmem:$0x10000] =	vst v63  }
0x1b: {  	_ =	swait.ge [sflag:s4], $0x10000  }
0x1c: {  	[sflag:s4] =	ssyncset.done $0x0  }
0x1d: {  	[sflag:s4] =	ssyncadd.s32 $0xFFFF0000  }
0x1e: {  	[hbm4b:s5+s2] =	stream.linear.scatter [tilespmem:s2], [sflag:$0x1], $0x10000, $0x38;
	[tilespmem:$0x10000] =	vst v63  }
0x1f: {  	_ =	swait.ge [sflag:s4], $0x10000  }
0x20: {  	[sflag:s4] =	ssyncset.done $0x0  }
0x21: {  	[sflag:s4] =	ssyncadd.s32 $0xFFFF0000  }
0x22: {  	[hbm4b:s6+s2] =	stream.linear.scatter [tilespmem:s2], [sflag:$0x1], $0x10000, $0x38;
	[tilespmem:$0x10000] =	vst v63  }
0x23: {  	_ =	swait.ge [sflag:s4], $0x10000  }
0x24: {  	[sflag:s4] =	ssyncset.done $0x0  }
0x25: {  	[sflag:s4] =	ssyncadd.s32 $0xFFFF0000  }
0x26: {  	[hbm4b:s7+s2] =	stream.linear.scatter [tilespmem:s2], [sflag:$0x1], $0x10000, $0x38;
	[tilespmem:$0x10000] =	vst v63  }
0x27: {  	_ =	swait.ge [sflag:s4], $0x10000  }
.Ltmp1:
0x28: {  	[sflag:s4] =	ssyncset.done $0x0;
	(pc) =	sbr.rel @p0 .LBB2_1-.Ltmp1, $4  }
0x29: {  	[sflag:s4] =	ssyncadd.s32 $0xFFFF0000  }
0x2a: {  	[hbm4b:s8+s2] =	stream.linear.scatter [tilespmem:s2], [sflag:$0x1], $0x10000, $0x38;
	[tilespmem:$0x10000] =	vst v63  }
0x2b: {  	_ =	swait.ge [sflag:s4], $0x10000  }
0x2c: {  	[sflag:s4] =	ssyncset.done $0x0  }
.LBB2_2:
0x2d: {  	[sflag:s4] =	ssyncadd.s32 $0xFFFF0000  }
0x2e: {  	_ =	sfence.sel $0x180000  }
0x2f: {  	[bflag:$0x0] =	sbarrier.arrive $0xFFFF  }
0x30: {  	p0 =	sne.s32 s1, $0x0;
	_ =	strace $0x90000047  }
0x31: {  	s0 =	sadd.s32 @!p0 $0x100000, s0;
	[bflag:$0x2] =	sbarrier.arrive $0xFFFF  }
0x32: {  	[sflag:s0] =	ssyncadd.tile.s32 @!p0 $0x1;
	_ =	shalt  }
.Lfunc_end2:
_tile_overlayer_lowered:
.L_overlay_start_2:
0x33: {  	(tag) =	ssettag $0x2  }
0x34: {  	s0 =	rddreg [dreg:$0x0];
	s2 =	stileid.u32  }
0x35: {  	s1 =	rddreg [dreg:$0x1];
	p0 =	sne.s32 s2, $0x0  }
0x36: {  	s3 =	rddreg [dreg:$0x2];
	[bflag:$0x3] =	sbarrier.arrive $0xFFFF;
	s2 =	simm.s32 @!p0 $0x1C01  }
0x37: {  	[timem:s3], [sflag:s2] =	dma.local @!p0 [hbm:s0], s1  }
0x38: {  	s0 =	simm.s32 @!p0 $0x1  }
0x39: {  	_ =	swait.ge @!p0 [sflag:s0], s1  }
0x3a: {  	s1 =	ssub.s32 @!p0 $0x0, s1;
	[sflag:s0] =	ssyncset.done @!p0 $0x0  }
0x3b: {  	[sflag:s0] =	ssyncadd.s32 @!p0 s1  }
0x3c: {  	[bflag:$0x3] =	sbarrier.arrive $0xFFFF  }
0x3d: {  	_ =	shalt  }

</sc_bundles>
